<compile_context>
chip_gen: v7x
topology: tpu7x:2x2x1
jax: 0.10.2.dev20260603
libtpu: 0.0.44.dev20260713+nightly
codegen_flags: <defaults>
</compile_context>

<pallas_src>
import functools

import jax
import jax.numpy as jnp
from jax import lax
from jax.experimental import pallas as pl
from jax.experimental.pallas import tpu as pltpu
from jax.experimental.pallas import tpu_sc as plsc

D_MODEL = 32
NB = 32
NUM_CORES = 2
NUM_SUBCORES = 16
NUM_WORKERS = NUM_CORES * NUM_SUBCORES


@functools.cache
def _build(batch: int, hist: int):
    batches_per_worker = batch // NUM_WORKERS
    n_steps = batches_per_worker // NB
    assert n_steps % 2 == 0 and batches_per_worker % NB == 0

    mesh = plsc.VectorSubcoreMesh(
        core_axis_name="c",
        subcore_axis_name="s",
        num_cores=NUM_CORES,
        num_subcores=NUM_SUBCORES,
    )

    scratch = [pltpu.VMEM((batches_per_worker, hist), jnp.int32)]
    scratch += [pltpu.VMEM((NB, hist, D_MODEL), jnp.float32)
                for _ in range(2)]
    scratch += [pltpu.SemaphoreType.DMA for _ in range(4)]

    @functools.partial(
        pl.kernel,
        mesh=mesh,
        out_type=jax.ShapeDtypeStruct((batch, hist, D_MODEL), jnp.float32),
        scratch_types=scratch,
        compiler_params=pltpu.CompilerParams(use_tc_tiling_on_sc=False),
    )
    def emb_kernel(x_hbm, table_hbm, out_hbm, idx_v, buf0, buf1,
                   gsem0, gsem1, ssem0, ssem1):
        bufs = (buf0, buf1)
        gsems = (gsem0, gsem1)
        ssems = (ssem0, ssem1)

        wid = lax.axis_index("s") * NUM_CORES + lax.axis_index("c")
        bbase = wid * batches_per_worker

        pltpu.sync_copy(x_hbm.at[pl.ds(bbase, batches_per_worker)], idx_v)

        def gather(bb, i, c):
            return pltpu.make_async_copy(
                table_hbm.at[idx_v.at[c]], bufs[bb].at[i], gsems[bb])

        def fire(bb, s):
            def body(i, carry):
                gather(bb, i, s * NB + i).start()
                return carry
            lax.fori_loop(0, NB, body, 0)

        def drain(bb, s):
            def body(i, carry):
                gather(bb, i, s * NB + i).wait()
                return carry
            lax.fori_loop(0, NB, body, 0)

        def store(bb, s):
            return pltpu.make_async_copy(
                bufs[bb], out_hbm.at[pl.ds(bbase + s * NB, NB)], ssems[bb])

        fire(0, 0)

        def outer(g, carry):
            s0 = 2 * g
            s1 = s0 + 1

            @pl.when(g > 0)
            def _():
                store(1, s1 - 2).wait()
            fire(1, s1)
            drain(0, s0)
            store(0, s0).start()

            @pl.when(s1 + 1 < n_steps)
            def _():
                store(0, s0).wait()
                fire(0, s1 + 1)
            drain(1, s1)
            store(1, s1).start()
            return carry

        lax.fori_loop(0, n_steps // 2, outer, 0)

        store(0, n_steps - 2).wait()
        store(1, n_steps - 1).wait()

    return emb_kernel


@jax.jit
def kernel(x, table):
    batch, hist = x.shape
    return _build(batch, hist)(x.astype(jnp.int32), table)

# --- scband reference (transcript-rebuilt; emitter-appended) ---
"""Pipeline reference for scband-hand-embedding-26946624815541 (READ-ONLY COPY).

The authoritative reference and input builder live on the scoring server;
editing this copy changes nothing except your own understanding.
"""

import jax, jax.numpy as jnp
import numpy as np

NUM_CARD = 100000
D_MODEL = 32
BATCH = 16384
HIST = 50

def setup_inputs(seed: int = 0) -> dict:
    key = jax.random.key(seed)
    k_idx, k_tab = jax.random.split(key)
    x = jax.random.randint(k_idx, (BATCH, HIST), 0, NUM_CARD + 1, dtype=jnp.int64 if jax.config.jax_enable_x64 else jnp.int32)
    # Embedding table of shape (num_card + 1, d_model), uniform init like keras Embedding default
    table = jax.random.uniform(k_tab, (NUM_CARD + 1, D_MODEL), dtype=jnp.float32, minval=-0.05, maxval=0.05)
    return {"x": x, "table": table}

def reference(x, table):
    # HandEmbedding.call: simple embedding lookup
    return jnp.take(table, x, axis=0)

if __name__ == "__main__":
    import jax
    _d = setup_inputs()
    print(jax.jit(kernel)(*tuple(_d.values())))

</pallas_src>

<mosaic_0001>
#map = affine_map<(d0, d1) -> (0, 0)>
#map1 = affine_map<(d0, d1) -> (0, 0, 0)>
module attributes {stable_mosaic.version = 14 : i64} {
  func.func @emb_kernel(%arg0: i32, %arg1: i32, %arg2: memref<16384x50xi32, #tpu.memory_space<hbm>>, %arg3: memref<100001x32xf32, #tpu.memory_space<hbm>>, %arg4: memref<16384x50x32xf32, #tpu.memory_space<hbm>>, %arg5: memref<512x50xi32, #tpu.memory_space<vmem>>, %arg6: memref<32x50x32xf32, #tpu.memory_space<vmem>>, %arg7: memref<32x50x32xf32, #tpu.memory_space<vmem>>, %arg8: memref<!tpu.dma_semaphore, #tpu.memory_space<semaphore_mem>>, %arg9: memref<!tpu.dma_semaphore, #tpu.memory_space<semaphore_mem>>, %arg10: memref<!tpu.dma_semaphore, #tpu.memory_space<semaphore_mem>>, %arg11: memref<!tpu.dma_semaphore, #tpu.memory_space<semaphore_mem>>) attributes {dimension_semantics = [#tpu.dimension_semantics<core_parallel>, #tpu.dimension_semantics<subcore_parallel>], iteration_bounds = array<i64: 2, 16>, scalar_prefetch = 0 : i64, scratch_operands = 7 : i64, tpu.core_type = #tpu.core_type<sc_vector_subcore>, window_params = [{transform_indices = #map}, {transform_indices = #map}, {transform_indices = #map1}]} {
    %mul3A = arith.constant 2 : i32
    %mul3A_0 = arith.muli %arg1, %mul3A : i32
    %add3A = arith.addi %mul3A_0, %arg0 : i32
    %mul3A_1 = arith.constant 512 : i32
    %mul3A_2 = arith.muli %add3A, %mul3A_1 : i32
    "tpu.region"() ({
      %run_scoped3A = tpu.sem_alloc : memref<!tpu.dma_semaphore, #tpu.memory_space<semaphore_mem>>
      %dma_start3A = arith.constant 0 : i32
      %dma_start3A_29 = tpu.memref_slice %arg2[%mul3A_2, %dma_start3A] : memref<16384x50xi32, #tpu.memory_space<hbm>> -> memref<512x50xi32, #tpu.memory_space<hbm>>
      %dma_start3A_30 = arith.constant 0 : i32
      %dma_start3A_31 = tpu.memref_slice %arg2[%mul3A_2, %dma_start3A_30] : memref<16384x50xi32, #tpu.memory_space<hbm>> -> memref<512x50xi32, #tpu.memory_space<hbm>>
      tpu.enqueue_dma source(%dma_start3A_31 : memref<512x50xi32, #tpu.memory_space<hbm>>) target(%arg5 : memref<512x50xi32, #tpu.memory_space<vmem>>) target_semaphore(%run_scoped3A : memref<!tpu.dma_semaphore, #tpu.memory_space<semaphore_mem>>)
      %dma_wait3A_32 = arith.constant 0 : i32
      %dma_wait3A_33 = tpu.memref_slice %arg2[%mul3A_2, %dma_wait3A_32] : memref<16384x50xi32, #tpu.memory_space<hbm>> -> memref<512x50xi32, #tpu.memory_space<hbm>>
      %dma_wait3A_34 = arith.constant 0 : i32
      %dma_wait3A_35 = tpu.memref_slice %arg2[%mul3A_2, %dma_wait3A_34] : memref<16384x50xi32, #tpu.memory_space<hbm>> -> memref<512x50xi32, #tpu.memory_space<hbm>>
      tpu.wait_dma2 semaphore(%run_scoped3A : memref<!tpu.dma_semaphore, #tpu.memory_space<semaphore_mem>>) src(%dma_wait3A_35 : memref<512x50xi32, #tpu.memory_space<hbm>>) dst(%arg5 : memref<512x50xi32, #tpu.memory_space<vmem>>)
      tpu.yield
    }) : () -> ()
    %scan3A = arith.constant 0 : i32
    %scan3A_3 = arith.constant 0 : i32
    %scan3A_4 = arith.constant 32 : i32
    %scan3A_5 = arith.addi %scan3A_3, %scan3A_4 : i32
    %scan3A_6 = arith.constant 1 : i32
    scf.for %scan3A_29 = %scan3A_3 to %scan3A_5 step %scan3A_6  : i32 {
      %add3A_30 = arith.constant 0 : i32
      %add3A_31 = arith.addi %add3A_30, %scan3A_29 : i32
      %dma_start3A = arith.constant 0 : i32
      %dma_start3A_32 = arith.constant 0 : i32
      %dma_start3A_33 = tpu.memref_slice %arg6[%scan3A_29, %dma_start3A, %dma_start3A_32] : memref<32x50x32xf32, #tpu.memory_space<vmem>> -> memref<1x50x32xf32, #tpu.memory_space<vmem>>
      %dma_start3A_34 = tpu.memref_squeeze %dma_start3A_33 : memref<1x50x32xf32, #tpu.memory_space<vmem>> -> memref<50x32xf32, #tpu.memory_space<vmem>>
      %dma_start3A_35 = arith.constant 0 : i32
      %dma_start3A_36 = tpu.memref_slice %arg5[%add3A_31, %dma_start3A_35] : memref<512x50xi32, #tpu.memory_space<vmem>> -> memref<1x50xi32, #tpu.memory_space<vmem>>
      %dma_start3A_37 = tpu.memref_squeeze %dma_start3A_36 : memref<1x50xi32, #tpu.memory_space<vmem>> -> memref<50xi32, #tpu.memory_space<vmem>>
      %dma_start3A_38 = arith.constant 0 : i32
      %dma_start3A_39 = arith.constant 0 : i32
      %dma_start3A_40 = tpu.memref_slice %arg3[%dma_start3A_38, %dma_start3A_39] : memref<100001x32xf32, #tpu.memory_space<hbm>> -> memref<100001x32xf32, #tpu.memory_space<hbm>>
      tpu.enqueue_indirect_dma source(%dma_start3A_40 : memref<100001x32xf32, #tpu.memory_space<hbm>>) target(%dma_start3A_34 : memref<50x32xf32, #tpu.memory_space<vmem>>) offsets(%dma_start3A_37 : memref<50xi32, #tpu.memory_space<vmem>>) semaphore(%arg8 : memref<!tpu.dma_semaphore, #tpu.memory_space<semaphore_mem>>)
    }
    %scan3A_7 = arith.constant 32 : i32
    %scan3A_8 = arith.constant 0 : i32
    %scan3A_9 = arith.constant 0 : i32
    %scan3A_10 = arith.constant 8 : i32
    %scan3A_11 = arith.addi %scan3A_9, %scan3A_10 : i32
    %scan3A_12 = arith.constant 1 : i32
    scf.for %scan3A_29 = %scan3A_9 to %scan3A_11 step %scan3A_12  : i32 {
      %mul3A_30 = arith.constant 2 : i32
      %mul3A_31 = arith.muli %mul3A_30, %scan3A_29 : i32
      %add3A_32 = arith.constant 1 : i32
      %add3A_33 = arith.addi %mul3A_31, %add3A_32 : i32
      %gt3A = arith.constant 0 : i32
      %gt3A_34 = arith.cmpi sgt, %scan3A_29, %gt3A : i32
      %convert_element_type3A = arith.extui %gt3A_34 : i1 to i32
      %cond3A = arith.constant 0 : i32
      %cond3A_35 = arith.cmpi ne, %convert_element_type3A, %cond3A : i32
      scf.if %cond3A_35 {
        %sub3A = arith.constant 2 : i32
        %sub3A_77 = arith.subi %add3A_33, %sub3A : i32
        %mul3A_78 = arith.constant 32 : i32
        %mul3A_79 = arith.muli %sub3A_77, %mul3A_78 : i32
        %add3A_80 = arith.addi %mul3A_2, %mul3A_79 : i32
        %dma_wait3A_81 = arith.constant 0 : i32
        %dma_wait3A_82 = arith.constant 0 : i32
        %dma_wait3A_83 = tpu.memref_slice %arg4[%add3A_80, %dma_wait3A_81, %dma_wait3A_82] : memref<16384x50x32xf32, #tpu.memory_space<hbm>> -> memref<32x50x32xf32, #tpu.memory_space<hbm>>
        %dma_wait3A_84 = arith.constant 0 : i32
        %dma_wait3A_85 = arith.constant 0 : i32
        %dma_wait3A_86 = tpu.memref_slice %arg4[%add3A_80, %dma_wait3A_84, %dma_wait3A_85] : memref<16384x50x32xf32, #tpu.memory_space<hbm>> -> memref<32x50x32xf32, #tpu.memory_space<hbm>>
        tpu.wait_dma2 semaphore(%arg11 : memref<!tpu.dma_semaphore, #tpu.memory_space<semaphore_mem>>) src(%arg7 : memref<32x50x32xf32, #tpu.memory_space<vmem>>) dst(%dma_wait3A_86 : memref<32x50x32xf32, #tpu.memory_space<hbm>>)
      } else {
      }
      %scan3A_36 = arith.constant 0 : i32
      %scan3A_37 = arith.constant 0 : i32
      %scan3A_38 = arith.constant 32 : i32
      %scan3A_39 = arith.addi %scan3A_37, %scan3A_38 : i32
      %scan3A_40 = arith.constant 1 : i32
      scf.for %scan3A_77 = %scan3A_37 to %scan3A_39 step %scan3A_40  : i32 {
        %mul3A_78 = arith.constant 32 : i32
        %mul3A_79 = arith.muli %add3A_33, %mul3A_78 : i32
        %add3A_80 = arith.addi %mul3A_79, %scan3A_77 : i32
        %dma_start3A_81 = arith.constant 0 : i32
        %dma_start3A_82 = arith.constant 0 : i32
        %dma_start3A_83 = tpu.memref_slice %arg7[%scan3A_77, %dma_start3A_81, %dma_start3A_82] : memref<32x50x32xf32, #tpu.memory_space<vmem>> -> memref<1x50x32xf32, #tpu.memory_space<vmem>>
        %dma_start3A_84 = tpu.memref_squeeze %dma_start3A_83 : memref<1x50x32xf32, #tpu.memory_space<vmem>> -> memref<50x32xf32, #tpu.memory_space<vmem>>
        %dma_start3A_85 = arith.constant 0 : i32
        %dma_start3A_86 = tpu.memref_slice %arg5[%add3A_80, %dma_start3A_85] : memref<512x50xi32, #tpu.memory_space<vmem>> -> memref<1x50xi32, #tpu.memory_space<vmem>>
        %dma_start3A_87 = tpu.memref_squeeze %dma_start3A_86 : memref<1x50xi32, #tpu.memory_space<vmem>> -> memref<50xi32, #tpu.memory_space<vmem>>
        %dma_start3A_88 = arith.constant 0 : i32
        %dma_start3A_89 = arith.constant 0 : i32
        %dma_start3A_90 = tpu.memref_slice %arg3[%dma_start3A_88, %dma_start3A_89] : memref<100001x32xf32, #tpu.memory_space<hbm>> -> memref<100001x32xf32, #tpu.memory_space<hbm>>
        tpu.enqueue_indirect_dma source(%dma_start3A_90 : memref<100001x32xf32, #tpu.memory_space<hbm>>) target(%dma_start3A_84 : memref<50x32xf32, #tpu.memory_space<vmem>>) offsets(%dma_start3A_87 : memref<50xi32, #tpu.memory_space<vmem>>) semaphore(%arg9 : memref<!tpu.dma_semaphore, #tpu.memory_space<semaphore_mem>>)
      }
      %scan3A_41 = arith.constant 32 : i32
      %scan3A_42 = arith.constant 0 : i32
      %scan3A_43 = arith.constant 0 : i32
      %scan3A_44 = arith.constant 32 : i32
      %scan3A_45 = arith.addi %scan3A_43, %scan3A_44 : i32
      %scan3A_46 = arith.constant 1 : i32
      scf.for %scan3A_77 = %scan3A_43 to %scan3A_45 step %scan3A_46  : i32 {
        %mul3A_78 = arith.constant 32 : i32
        %mul3A_79 = arith.muli %mul3A_31, %mul3A_78 : i32
        %add3A_80 = arith.addi %mul3A_79, %scan3A_77 : i32
        %dma_wait3A_81 = arith.constant 0 : i32
        %dma_wait3A_82 = arith.constant 0 : i32
        %dma_wait3A_83 = tpu.memref_slice %arg6[%scan3A_77, %dma_wait3A_81, %dma_wait3A_82] : memref<32x50x32xf32, #tpu.memory_space<vmem>> -> memref<1x50x32xf32, #tpu.memory_space<vmem>>
        %dma_wait3A_84 = tpu.memref_squeeze %dma_wait3A_83 : memref<1x50x32xf32, #tpu.memory_space<vmem>> -> memref<50x32xf32, #tpu.memory_space<vmem>>
        %dma_wait3A_85 = arith.constant 0 : i32
        %dma_wait3A_86 = tpu.memref_slice %arg5[%add3A_80, %dma_wait3A_85] : memref<512x50xi32, #tpu.memory_space<vmem>> -> memref<1x50xi32, #tpu.memory_space<vmem>>
        %dma_wait3A_87 = tpu.memref_squeeze %dma_wait3A_86 : memref<1x50xi32, #tpu.memory_space<vmem>> -> memref<50xi32, #tpu.memory_space<vmem>>
        %dma_wait3A_88 = arith.constant 0 : i32
        %dma_wait3A_89 = arith.constant 0 : i32
        %dma_wait3A_90 = tpu.memref_slice %arg3[%dma_wait3A_88, %dma_wait3A_89] : memref<100001x32xf32, #tpu.memory_space<hbm>> -> memref<100001x32xf32, #tpu.memory_space<hbm>>
        tpu.wait_indirect_dma semaphore(%arg8 : memref<!tpu.dma_semaphore, #tpu.memory_space<semaphore_mem>>) src(%dma_wait3A_90 : memref<100001x32xf32, #tpu.memory_space<hbm>>) dst(%dma_wait3A_84 : memref<50x32xf32, #tpu.memory_space<vmem>>)
      }
      %scan3A_47 = arith.constant 32 : i32
      %mul3A_48 = arith.constant 32 : i32
      %mul3A_49 = arith.muli %mul3A_31, %mul3A_48 : i32
      %add3A_50 = arith.addi %mul3A_2, %mul3A_49 : i32
      %dma_start3A = arith.constant 0 : i32
      %dma_start3A_51 = arith.constant 0 : i32
      %dma_start3A_52 = tpu.memref_slice %arg4[%add3A_50, %dma_start3A, %dma_start3A_51] : memref<16384x50x32xf32, #tpu.memory_space<hbm>> -> memref<32x50x32xf32, #tpu.memory_space<hbm>>
      %dma_start3A_53 = arith.constant 0 : i32
      %dma_start3A_54 = arith.constant 0 : i32
      %dma_start3A_55 = tpu.memref_slice %arg4[%add3A_50, %dma_start3A_53, %dma_start3A_54] : memref<16384x50x32xf32, #tpu.memory_space<hbm>> -> memref<32x50x32xf32, #tpu.memory_space<hbm>>
      tpu.enqueue_dma source(%arg6 : memref<32x50x32xf32, #tpu.memory_space<vmem>>) target(%dma_start3A_55 : memref<32x50x32xf32, #tpu.memory_space<hbm>>) target_semaphore(%arg10 : memref<!tpu.dma_semaphore, #tpu.memory_space<semaphore_mem>>)
      %add3A_56 = arith.constant 1 : i32
      %add3A_57 = arith.addi %add3A_33, %add3A_56 : i32
      %lt3A = arith.constant 16 : i32
      %lt3A_58 = arith.cmpi slt, %add3A_57, %lt3A : i32
      %convert_element_type3A_59 = arith.extui %lt3A_58 : i1 to i32
      %cond3A_60 = arith.constant 0 : i32
      %cond3A_61 = arith.cmpi ne, %convert_element_type3A_59, %cond3A_60 : i32
      scf.if %cond3A_61 {
        %mul3A_77 = arith.constant 32 : i32
        %mul3A_78 = arith.muli %mul3A_31, %mul3A_77 : i32
        %add3A_79 = arith.addi %mul3A_2, %mul3A_78 : i32
        %dma_wait3A_80 = arith.constant 0 : i32
        %dma_wait3A_81 = arith.constant 0 : i32
        %dma_wait3A_82 = tpu.memref_slice %arg4[%add3A_79, %dma_wait3A_80, %dma_wait3A_81] : memref<16384x50x32xf32, #tpu.memory_space<hbm>> -> memref<32x50x32xf32, #tpu.memory_space<hbm>>
        %dma_wait3A_83 = arith.constant 0 : i32
        %dma_wait3A_84 = arith.constant 0 : i32
        %dma_wait3A_85 = tpu.memref_slice %arg4[%add3A_79, %dma_wait3A_83, %dma_wait3A_84] : memref<16384x50x32xf32, #tpu.memory_space<hbm>> -> memref<32x50x32xf32, #tpu.memory_space<hbm>>
        tpu.wait_dma2 semaphore(%arg10 : memref<!tpu.dma_semaphore, #tpu.memory_space<semaphore_mem>>) src(%arg6 : memref<32x50x32xf32, #tpu.memory_space<vmem>>) dst(%dma_wait3A_85 : memref<32x50x32xf32, #tpu.memory_space<hbm>>)
        %add3A_86 = arith.constant 1 : i32
        %add3A_87 = arith.addi %add3A_33, %add3A_86 : i32
        %scan3A_88 = arith.constant 0 : i32
        %scan3A_89 = arith.constant 0 : i32
        %scan3A_90 = arith.constant 32 : i32
        %scan3A_91 = arith.addi %scan3A_89, %scan3A_90 : i32
        %scan3A_92 = arith.constant 1 : i32
        scf.for %scan3A_94 = %scan3A_89 to %scan3A_91 step %scan3A_92  : i32 {
          %mul3A_95 = arith.constant 32 : i32
          %mul3A_96 = arith.muli %add3A_87, %mul3A_95 : i32
          %add3A_97 = arith.addi %mul3A_96, %scan3A_94 : i32
          %dma_start3A_98 = arith.constant 0 : i32
          %dma_start3A_99 = arith.constant 0 : i32
          %dma_start3A_100 = tpu.memref_slice %arg6[%scan3A_94, %dma_start3A_98, %dma_start3A_99] : memref<32x50x32xf32, #tpu.memory_space<vmem>> -> memref<1x50x32xf32, #tpu.memory_space<vmem>>
          %dma_start3A_101 = tpu.memref_squeeze %dma_start3A_100 : memref<1x50x32xf32, #tpu.memory_space<vmem>> -> memref<50x32xf32, #tpu.memory_space<vmem>>
          %dma_start3A_102 = arith.constant 0 : i32
          %dma_start3A_103 = tpu.memref_slice %arg5[%add3A_97, %dma_start3A_102] : memref<512x50xi32, #tpu.memory_space<vmem>> -> memref<1x50xi32, #tpu.memory_space<vmem>>
          %dma_start3A_104 = tpu.memref_squeeze %dma_start3A_103 : memref<1x50xi32, #tpu.memory_space<vmem>> -> memref<50xi32, #tpu.memory_space<vmem>>
          %dma_start3A_105 = arith.constant 0 : i32
          %dma_start3A_106 = arith.constant 0 : i32
          %dma_start3A_107 = tpu.memref_slice %arg3[%dma_start3A_105, %dma_start3A_106] : memref<100001x32xf32, #tpu.memory_space<hbm>> -> memref<100001x32xf32, #tpu.memory_space<hbm>>
          tpu.enqueue_indirect_dma source(%dma_start3A_107 : memref<100001x32xf32, #tpu.memory_space<hbm>>) target(%dma_start3A_101 : memref<50x32xf32, #tpu.memory_space<vmem>>) offsets(%dma_start3A_104 : memref<50xi32, #tpu.memory_space<vmem>>) semaphore(%arg8 : memref<!tpu.dma_semaphore, #tpu.memory_space<semaphore_mem>>)
        }
        %scan3A_93 = arith.constant 32 : i32
      } else {
      }
      %scan3A_62 = arith.constant 0 : i32
      %scan3A_63 = arith.constant 0 : i32
      %scan3A_64 = arith.constant 32 : i32
      %scan3A_65 = arith.addi %scan3A_63, %scan3A_64 : i32
      %scan3A_66 = arith.constant 1 : i32
      scf.for %scan3A_77 = %scan3A_63 to %scan3A_65 step %scan3A_66  : i32 {
        %mul3A_78 = arith.constant 32 : i32
        %mul3A_79 = arith.muli %add3A_33, %mul3A_78 : i32
        %add3A_80 = arith.addi %mul3A_79, %scan3A_77 : i32
        %dma_wait3A_81 = arith.constant 0 : i32
        %dma_wait3A_82 = arith.constant 0 : i32
        %dma_wait3A_83 = tpu.memref_slice %arg7[%scan3A_77, %dma_wait3A_81, %dma_wait3A_82] : memref<32x50x32xf32, #tpu.memory_space<vmem>> -> memref<1x50x32xf32, #tpu.memory_space<vmem>>
        %dma_wait3A_84 = tpu.memref_squeeze %dma_wait3A_83 : memref<1x50x32xf32, #tpu.memory_space<vmem>> -> memref<50x32xf32, #tpu.memory_space<vmem>>
        %dma_wait3A_85 = arith.constant 0 : i32
        %dma_wait3A_86 = tpu.memref_slice %arg5[%add3A_80, %dma_wait3A_85] : memref<512x50xi32, #tpu.memory_space<vmem>> -> memref<1x50xi32, #tpu.memory_space<vmem>>
        %dma_wait3A_87 = tpu.memref_squeeze %dma_wait3A_86 : memref<1x50xi32, #tpu.memory_space<vmem>> -> memref<50xi32, #tpu.memory_space<vmem>>
        %dma_wait3A_88 = arith.constant 0 : i32
        %dma_wait3A_89 = arith.constant 0 : i32
        %dma_wait3A_90 = tpu.memref_slice %arg3[%dma_wait3A_88, %dma_wait3A_89] : memref<100001x32xf32, #tpu.memory_space<hbm>> -> memref<100001x32xf32, #tpu.memory_space<hbm>>
        tpu.wait_indirect_dma semaphore(%arg9 : memref<!tpu.dma_semaphore, #tpu.memory_space<semaphore_mem>>) src(%dma_wait3A_90 : memref<100001x32xf32, #tpu.memory_space<hbm>>) dst(%dma_wait3A_84 : memref<50x32xf32, #tpu.memory_space<vmem>>)
      }
      %scan3A_67 = arith.constant 32 : i32
      %mul3A_68 = arith.constant 32 : i32
      %mul3A_69 = arith.muli %add3A_33, %mul3A_68 : i32
      %add3A_70 = arith.addi %mul3A_2, %mul3A_69 : i32
      %dma_start3A_71 = arith.constant 0 : i32
      %dma_start3A_72 = arith.constant 0 : i32
      %dma_start3A_73 = tpu.memref_slice %arg4[%add3A_70, %dma_start3A_71, %dma_start3A_72] : memref<16384x50x32xf32, #tpu.memory_space<hbm>> -> memref<32x50x32xf32, #tpu.memory_space<hbm>>
      %dma_start3A_74 = arith.constant 0 : i32
      %dma_start3A_75 = arith.constant 0 : i32
      %dma_start3A_76 = tpu.memref_slice %arg4[%add3A_70, %dma_start3A_74, %dma_start3A_75] : memref<16384x50x32xf32, #tpu.memory_space<hbm>> -> memref<32x50x32xf32, #tpu.memory_space<hbm>>
      tpu.enqueue_dma source(%arg7 : memref<32x50x32xf32, #tpu.memory_space<vmem>>) target(%dma_start3A_76 : memref<32x50x32xf32, #tpu.memory_space<hbm>>) target_semaphore(%arg11 : memref<!tpu.dma_semaphore, #tpu.memory_space<semaphore_mem>>)
    }
    %scan3A_13 = arith.constant 8 : i32
    %add3A_14 = arith.constant 448 : i32
    %add3A_15 = arith.addi %mul3A_2, %add3A_14 : i32
    %dma_wait3A = arith.constant 0 : i32
    %dma_wait3A_16 = arith.constant 0 : i32
    %dma_wait3A_17 = tpu.memref_slice %arg4[%add3A_15, %dma_wait3A, %dma_wait3A_16] : memref<16384x50x32xf32, #tpu.memory_space<hbm>> -> memref<32x50x32xf32, #tpu.memory_space<hbm>>
    %dma_wait3A_18 = arith.constant 0 : i32
    %dma_wait3A_19 = arith.constant 0 : i32
    %dma_wait3A_20 = tpu.memref_slice %arg4[%add3A_15, %dma_wait3A_18, %dma_wait3A_19] : memref<16384x50x32xf32, #tpu.memory_space<hbm>> -> memref<32x50x32xf32, #tpu.memory_space<hbm>>
    tpu.wait_dma2 semaphore(%arg10 : memref<!tpu.dma_semaphore, #tpu.memory_space<semaphore_mem>>) src(%arg6 : memref<32x50x32xf32, #tpu.memory_space<vmem>>) dst(%dma_wait3A_20 : memref<32x50x32xf32, #tpu.memory_space<hbm>>)
    %add3A_21 = arith.constant 480 : i32
    %add3A_22 = arith.addi %mul3A_2, %add3A_21 : i32
    %dma_wait3A_23 = arith.constant 0 : i32
    %dma_wait3A_24 = arith.constant 0 : i32
    %dma_wait3A_25 = tpu.memref_slice %arg4[%add3A_22, %dma_wait3A_23, %dma_wait3A_24] : memref<16384x50x32xf32, #tpu.memory_space<hbm>> -> memref<32x50x32xf32, #tpu.memory_space<hbm>>
    %dma_wait3A_26 = arith.constant 0 : i32
    %dma_wait3A_27 = arith.constant 0 : i32
    %dma_wait3A_28 = tpu.memref_slice %arg4[%add3A_22, %dma_wait3A_26, %dma_wait3A_27] : memref<16384x50x32xf32, #tpu.memory_space<hbm>> -> memref<32x50x32xf32, #tpu.memory_space<hbm>>
    tpu.wait_dma2 semaphore(%arg11 : memref<!tpu.dma_semaphore, #tpu.memory_space<semaphore_mem>>) src(%arg7 : memref<32x50x32xf32, #tpu.memory_space<vmem>>) dst(%dma_wait3A_28 : memref<32x50x32xf32, #tpu.memory_space<hbm>>)
    return
  }
}

</mosaic_0001>

<sc_bundles>
// kernel: kernel.3.cloned.1.call-start
scs
__scs_entry_jumppad:
0x0: {  	(pc) =	sbr.rel $0x88, $3  }
0x1: {  	(tag) =	ssettag $0x0;
	lr =	simm.s32 $0x1  }
0x2: {  	[smem:$0x3F9F] =	sst lr;
	_ =	strace $0xD0000000  }
0x3: {  	_ = 	snop  }
0x4: {  	_ = 	snop  }
0x5: {  	_ = 	snop  }
0x6: {  	_ = 	snop  }
0x7: {  	_ = 	snop  }
__scs_overlays_trampoline_lowered:
0x8: {  	[smem:$0x3FAE] =	sst s0  }
0x9: {  	[smem:$0x3FAF] =	sst s1  }
0xa: {  	[smem:$0x3FB0] =	sst s2  }
0xb: {  	[smem:$0x3FB1] =	sst s3  }
0xc: {  	[smem:$0x3FB2] =	sst s4  }
0xd: {  	[smem:$0x3FB3] =	sst s5  }
0xe: {  	[smem:$0x3FB4] =	sst s6  }
0xf: {  	[smem:$0x3FB5] =	sst s7  }
0x10: {  	[smem:$0x3FB6] =	sst s8  }
0x11: {  	[smem:$0x3FB7] =	sst s9;
	s0 =	simm.s32 @!p0 $0x0  }
0x12: {  	s1 =	sld [smem:$0x3F9D];
	s0 =	simm.s32 @p0 $0x1  }
0x13: {  	[smem:$0x3FB8] =	sst s0;
	s0 =	simm.s32 @!p1 $0x0  }
0x14: {  	s2 =	sld [smem:$0x3F9C];
	s0 =	simm.s32 @p1 $0x1  }
0x15: {  	[smem:$0x3FB9] =	sst s0;
	s0 =	simm.s32 @!p2 $0x0  }
0x16: {  	s3 =	sld [smem:$0x3FDB];
	s0 =	simm.s32 @p2 $0x1  }
0x17: {  	s4 =	simm.s32 $0x1BF5;
	[smem:$0x3FBB] =	sst s0  }
0x18: {  	s0 =	sld [smem:$0x3F9E];
	_ =	swait.ge [sflag:s4], $0x0  }
0x19: {  	s7 =	sld [smem:$0x3F9F]  }
0x1a: {  	s8 =	sadd.s32 $0xFFFFE003, lr  }
0x1b: {  	s9 =	sadd.s32 $0xFFFFFEF7, lr;
	s5 =	simm.s32 $0xFFFFFFFF;
	p2 =	slt.u32 s8, $0xFFFFF086  }
0x1c: {  	p1 =	slt.u32 s9, $0xF7A;
	s5 =	simm.s32 @!p2 $0x0  }
0x1d: {  	s5 =	simm.s32 @p1 $0x1;
	p0 =	seq.s32 s7, s2  }
0x1e: {  	s7 =	smul.u32 @!p0 $0xF7A, s2;
	p2 =	seq.s32 @!p0 s5, $0x0  }
0x1f: {  	s9 =	smul.u32 $0xF7A, s1;
	s8 =	simm.s32 @!p0 $0x1BF5;
	p2 =	por !p2, p0  }
0x20: {  	[sflag:s8] =	ssyncset.s32 @!p0 $0xFFFFF086;
	s6 =	sadd.s32 @!p0 s3, s7;
	s7 =	simm.s32 @!p0 $0x108  }
0x21: {  	s3 =	sadd.s32 s3, s9;
	s6 =	sadd.s32 @!p0 $0x88, s6;
	s7 =	simm.s32 @p2 $0x1082  }
0x22: {  	[simem:s7], [sflag:s8] =	dma.local @!p0 [hbm:s6], $0xF7A  }
0x23: {  	s9 =	sor.u32 $0xD0000000, s2;
	s6 =	simm.s32 $0x108;
	_ =	swait.ge @!p0 [sflag:s8], $0x0  }
0x24: {  	s3 =	sadd.s32 $0x88, s3;
	s6 =	simm.s32 @!p1 $0x1082;
	[sflag:s4] =	ssyncset.s32 $0xFFFFF086  }
0x25: {  	[simem:s6], [sflag:s4] =	dma.local [hbm:s3], $0xF7A  }
0x26: {  	[smem:$0x3F9F] =	sst s1;
	(tag) =	ssettag s2;
	_ =	strace s9  }
0x27: {  	s1 =	sld [smem:$0x3FAF]  }
0x28: {  	s2 =	sld [smem:$0x3FB0]  }
0x29: {  	s4 =	sld [smem:$0x3FB2]  }
0x2a: {  	p0 =	seq.s32 s5, $0x0;
	s5 =	sld [smem:$0x3FB3]  }
0x2b: {  	s6 =	sld [smem:$0x3FB4]  }
0x2c: {  	s7 =	sld [smem:$0x3FB5]  }
0x2d: {  	s3 =	simm.s32 $0x108;
	s8 =	sld [smem:$0x3FB6]  }
0x2e: {  	s3 =	simm.s32 @!p0 $0x1082;
	s9 =	sld [smem:$0x3FB7]  }
0x2f: {  	lr =	sadd.s32 s0, s3;
	s0 =	sld [smem:$0x3FAE]  }
0x30: {  	s3 =	sld [smem:$0x3FB1]  }
0x31: {  	[smem:$0x3FBA] =	sst s10  }
0x32: {  	s10 =	sld [smem:$0x3FB8];
	_ =	sdelay $0x3  }
0x33: {  	p0 =	seq.s32 s10, $0x1;
	s10 =	sld [smem:$0x3FBA];
	_ =	sdelay $0x3  }
0x34: {  	[smem:$0x3FBA] =	sst s10  }
0x35: {  	s10 =	sld [smem:$0x3FB9];
	_ =	sdelay $0x3  }
0x36: {  	p1 =	seq.s32 s10, $0x1;
	s10 =	sld [smem:$0x3FBA];
	_ =	sdelay $0x3  }
0x37: {  	[smem:$0x3FBA] =	sst s10  }
0x38: {  	s10 =	sld [smem:$0x3FBB]  }
0x39: {  	_ = 	snop;
	(pc) =	sbr.ind lr, $3  }
0x3a: {  	_ = 	snop  }
0x3b: {  	_ = 	snop  }
0x3c: {  	p2 =	seq.s32 s10, $0x1;
	s10 =	sld [smem:$0x3FBA]  }
0x3d: {  	_ =	shalt  }
0x3e: {  	_ =	shalt  }
0x3f: {  	_ =	shalt  }
0x40: {  	_ =	shalt  }
0x41: {  	_ =	shalt  }
0x42: {  	_ =	shalt  }
0x43: {  	_ =	shalt  }
0x44: {  	_ =	shalt  }
0x45: {  	_ =	shalt  }
0x46: {  	_ =	shalt  }
0x47: {  	_ =	shalt  }
0x48: {  	_ =	shalt  }
0x49: {  	_ =	shalt  }
0x4a: {  	_ =	shalt  }
0x4b: {  	_ =	shalt  }
0x4c: {  	_ =	shalt  }
0x4d: {  	_ =	shalt  }
0x4e: {  	_ =	shalt  }
0x4f: {  	_ =	shalt  }
0x50: {  	_ =	shalt  }
0x51: {  	_ =	shalt  }
0x52: {  	_ =	shalt  }
0x53: {  	_ =	shalt  }
0x54: {  	_ =	shalt  }
0x55: {  	_ =	shalt  }
0x56: {  	_ =	shalt  }
0x57: {  	_ =	shalt  }
0x58: {  	_ =	shalt  }
0x59: {  	_ =	shalt  }
0x5a: {  	_ =	shalt  }
0x5b: {  	_ =	shalt  }
0x5c: {  	_ =	shalt  }
0x5d: {  	_ =	shalt  }
0x5e: {  	_ =	shalt  }
0x5f: {  	_ =	shalt  }
0x60: {  	_ =	shalt  }
0x61: {  	_ =	shalt  }
0x62: {  	_ =	shalt  }
0x63: {  	_ =	shalt  }
0x64: {  	_ =	shalt  }
0x65: {  	_ =	shalt  }
0x66: {  	_ =	shalt  }
0x67: {  	_ =	shalt  }
0x68: {  	_ =	shalt  }
0x69: {  	_ =	shalt  }
0x6a: {  	_ =	shalt  }
0x6b: {  	_ =	shalt  }
0x6c: {  	_ =	shalt  }
0x6d: {  	_ =	shalt  }
0x6e: {  	_ =	shalt  }
0x6f: {  	_ =	shalt  }
0x70: {  	_ =	shalt  }
0x71: {  	_ =	shalt  }
0x72: {  	_ =	shalt  }
0x73: {  	_ =	shalt  }
0x74: {  	_ =	shalt  }
0x75: {  	_ =	shalt  }
0x76: {  	_ =	shalt  }
0x77: {  	_ =	shalt  }
0x78: {  	_ =	shalt  }
0x79: {  	_ =	shalt  }
0x7a: {  	_ =	shalt  }
0x7b: {  	_ =	shalt  }
0x7c: {  	_ =	shalt  }
0x7d: {  	_ =	shalt  }
0x7e: {  	_ =	shalt  }
0x7f: {  	_ =	shalt  }
0x80: {  	_ =	shalt  }
0x81: {  	_ =	shalt  }
0x82: {  	_ =	shalt  }
0x83: {  	_ =	shalt  }
0x84: {  	_ =	shalt  }
0x85: {  	_ =	shalt  }
0x86: {  	_ =	shalt  }
0x87: {  	_ =	shalt  }
.Lfunc_end0:
.L_simem_size_0:
called_computation.1_lowered:
.L_overlay_start_0:
0x88: {  	s2 =	sld [smem:$0x3FD9]  }
0x89: {  	s3 =	sld [smem:$0x3FFE];
	_ =	sdelay $0x1  }
0x8a: {  	s1 =	srdreg.scid  }
0x8b: {  	s0 =	sand.u32 $0x1, s1  }
0x8c: {  	s17 =	sshll.u32 s0, $0xA;
	s2 =	sadd.s32 s3, s2  }
0x8d: {  	s2 =	sadd.s32 s2, s17  }
0x8e: {  	[smem:$0x3FC6] =	sst s2  }
0x8f: {  	_ = 	snop  }
0x90: {  	s2 =	sld [smem:$0x3FD0];
	(tm) =	ssettm $0x1  }
0x91: {  	s18 =	sld [smem:$0x3FFB];
	_ =	sdelay $0x3  }
0x92: {  	_ =	strace s18  }
0x93: {  	s3 =	sld [smem:$0x3FFC];
	_ =	sdelay $0x3  }
0x94: {  	_ =	strace s3  }
0x95: {  	s3 =	sld [smem:$0x3FFD];
	_ =	sdelay $0x3  }
0x96: {  	_ =	strace s3  }
0x97: {  	_ =	strace $0x8FFFFFFF  }
0x98: {  	s19 =	sld [smem:$0x3FDB];
	_ =	sdelay $0x1  }
0x99: {  	s4 =	simm.s32 $_scs_section_size  }
0x9a: {  	s5 =	simm.s32 $_size__tile_overlayer_lowered;
	s6 =	simm.s32 $_tile_overlayer_lowered  }
0x9b: {  	s22 =	simm.s32 $0x1BFF;
	s21 =	sshll.u32 s6, $0x1;
	s3 =	sadd.s32 s4, s19  }
0x9c: {  	s7 =	simm.s32 $0x0;
	s20 =	sshll.u32 s5, $0x1;
	s5 =	sadd.s32 s21, s3  }
0x9d: {  	[timem:s7], [sflag:s22] =	dma.local [hbm:s5], s20  }
0x9e: {  	_ =	swait.ge [sflag:s22], s20  }
0x9f: {  	s4 =	ssub.s32 $0x0, s20;
	[sflag:s22] =	ssyncset.done $0x0  }
0xa0: {  	[sflag:s22] =	ssyncadd.s32 s4;
	_ =	sdelay $0x1  }
0xa1: {  	s23 =	simm.s32 $0x1B8B  }
0xa2: {  	_ =	swait.ge [sflag:s23], $0x1  }
0xa3: {  	[sflag:s23] =	ssyncset.done $0x0  }
0xa4: {  	s25 =	simm.s32 $0x1B8E;
	s24 =	sld [smem:$0x3FFE];
	[sflag:s23] =	ssyncadd.s32 $0xFFFFFFFF  }
0xa5: {  	s26 =	simm.s32 $execute0_lowered;
	[smem:$0x3FD2] =	sst s25  }
0xa6: {  	s5 =	sshll.u32 s26, $0x1;
	_ =	strace $0x80000046;
	[dreg:$0x1] =	wrdreg $0xFFFFFFFF  }
0xa7: {  	s28 =	simm.s32 $_size_execute0_lowered;
	s3 =	sadd.s32 s3, s5;
	[dreg:$0x0] =	wrdreg $0x0  }
0xa8: {  	s5 =	sshll.u32 s28, $0x1;
	[dreg:$0x2] =	wrdreg s3  }
0xa9: {  	[dreg:$0x3] =	wrdreg s5  }
0xaa: {  	[dreg:$0x4] =	wrdreg $0xC0  }
0xab: {  	_ =	task [dreg:s7], $0x5FFFF  }
0xac: {  	[dreg:$0x1] =	wrdreg $0xFFFFFFFF  }
0xad: {  	[dreg:$0x0] =	wrdreg $0x60  }
0xae: {  	[dreg:$0x2] =	wrdreg s24  }
0xaf: {  	[dreg:$0x3] =	wrdreg s2  }
0xb0: {  	[dreg:$0x4] =	wrdreg $0x9  }
0xb1: {  	_ =	task.clear_ibuf [dreg:s7], $0x5FFFF;
	_ =	strace $0x90000046  }
0xb2: {  	s29 =	simm.s32 $0x9;
	_ =	strace $0x80000048  }
0xb3: {  	_ =	swait.ge [sflag:s29], $0x1  }
0xb4: {  	[sflag:s29] =	ssyncadd.s32 $0xFFFFFFFF  }
0xb5: {  	_ =	strace $0x90000048  }
0xb6: {  	_ =	sfence  }
0xb7: {  	s30 =	sld [smem:$0x0];
	_ =	sdelay $0x2  }
0xb8: {  	s31 =	sshll.u32 s1, $0xD;
	s1 =	sshrl.u32 s1, $0x2  }
0xb9: {  	s3 =	sand.u32 $0x4000, s31;
	s1 =	sadd.s32 s1, s30  }
0xba: {  	s0 =	sor.u32 s3, s0;
	s1 =	sshll.u32 s1, $0x11  }
0xbb: {  	s0 =	sor.u32 s1, s0  }
0xbc: {  	s0 =	sadd.s32 $0x8F2B, s0  }
0xbd: {  	[sflag:s0] =	ssyncadd.remote.s32 $0x1  }
0xbe: {  	_ =	sfence.sel $0xFFFF  }
0xbf: {  	[dreg:$0x0] =	wrdreg $0xFFFFFFFF;
	(pc) =	sbr.abs _section_cstart, $3  }
0xc0: {  	[dreg:$0x1] =	wrdreg $0xFFFFFFFF  }
0xc1: {  	_ =	task.clear_ibuf [dreg:s7], $0x2FFFF;
	_ =	strace $0x9FFFFFFF  }
0xc2: {  	(tm) =	ssettm $0x7FFFFFFF  }
0xc3: {  	_ =	shalt  }
tec
execute0_lowered:
.L_overlay_start_1:
0x0: {  	(tag) =	ssettag $0x1  }
0x1: {  	s0 =	srdreg.scid  }
0x2: {  	s2 =	stileid.u32;
	s1 =	rddreg [dreg:$0x0];
	s8 =	simm.s32 $0x5  }
0x3: {  	s9 =	simm.s32 $0x32;
	s10 =	simm.s32 $0x7000;
	s21 =	simm.s32 $0x620  }
0x4: {  	s22 =	simm.s32 $0x11F00;
	s23 =	simm.s32 $0x658;
	s24 =	simm.s32 $0x12540  }
0x5: {  	s25 =	simm.s32 $0x690;
	s26 =	simm.s32 $0x12B80;
	s28 =	simm.s32 $0x6C8  }
0x6: {  	s29 =	simm.s32 $0x131C0;
	s30 =	simm.s32 $0x1;
	s31 =	simm.s32 $0x2  }
0x7: {  	s11 =	simm.s32 $0x4;
	s12 =	simm.s32 $0x0;
	s0 =	sand.u32 $0x1, s0  }
0x8: {  	s3 =	sshll.u32 s2, $0xA;
	s4 =	sshll.u32 s0, $0x9;
	s0 =	ssub.s32 $0x2, s0  }
.Ltmp0:
0x9: {  	s3 =	sor.u32 s4, s3;
	s4 =	simm.s32 $0x0;
	(pc) =	sbr.rel .LBB2_1-.Ltmp0, $4  }
0xa: {  	s7 =	sshrl.u32 s0, $0x1;
	s5 =	smul.u32 $0x7, s3;
	[smem:$0x7FF] =	sst s4  }
0xb: {  	s2 =	rddreg [dreg:$0x1];
	s0 =	ssub.s32 s0, s7;
	_ =	strace $0x80000047  }
0xc: {  	s7 =	smax.u32 s0, $0x1;
	s0 =	simm.s32 $0x3;
	s6 =	sadd.s32 s5, s1  }
0xd: {  	s5 =	sadd.s32 $0x1D800, s1;
	s1 =	simm.s32 $0x13800;
	s6 =	sadd.s32 $0x1800, s6  }
.LBB2_8:
0xe: {  	s12 =	sadd.s32 $0x1, s12  }
0xf: {  	_ =	swait.ge [sflag:s0], $0xC800;
	p0 =	sne.s32 s12, s7  }
.Ltmp1:
0x10: {  	[sflag:s0] =	ssyncset.done $0x0;
	(pc) =	sbr.rel @!p0 .LBB2_9-.Ltmp1, $4  }
0x11: {  	[sflag:s0] =	ssyncadd.s32 $0xFFFF3800  }
0x12: {  	_ =	swait.ge [sflag:s11], $0xC800  }
0x13: {  	[sflag:s11] =	ssyncset.done $0x0  }
0x14: {  	[sflag:s11] =	ssyncadd.s32 $0xFFFF3800  }
.LBB2_1:
0x15: {  	[tilespmem:s4], [sflag:$0x5] =	stream.linear.gather [hbm4b:s6+s4], $0x7000, $0x38;
	v63 =	vld [tilespmem:$0x0]  }
0x16: {  	_ =	swait.ge [sflag:s8], $0x7000  }
0x17: {  	[sflag:s8] =	ssyncset.done $0x0  }
0x18: {  	[sflag:s8] =	ssyncadd.s32 $0xFFFF9000  }
0x19: {  	[tilespmem:s10], [sflag:$0x1] =	stream.indirect.gather [hbm4b:s5+s9], $0x20, s4, s9, $0xb8;
	v63 =	vld [tilespmem:$0x0]  }
0x1a: {  	s13 =	simm.s32 $0x38;
	s14 =	simm.s32 $0x7640  }
0x1b: {  	[tilespmem:s14], [sflag:$0x1] =	stream.indirect.gather [hbm4b:s5+s9], $0x20, s13, s9, $0xb8;
	v63 =	vld [tilespmem:$0x0]  }
0x1c: {  	s17 =	simm.s32 $0x70;
	s18 =	simm.s32 $0x7C80  }
0x1d: {  	[tilespmem:s18], [sflag:$0x1] =	stream.indirect.gather [hbm4b:s5+s9], $0x20, s17, s9, $0xb8;
	v63 =	vld [tilespmem:$0x0]  }
0x1e: {  	s19 =	simm.s32 $0xA8;
	s20 =	simm.s32 $0x82C0  }
0x1f: {  	[tilespmem:s20], [sflag:$0x1] =	stream.indirect.gather [hbm4b:s5+s9], $0x20, s19, s9, $0xb8;
	v63 =	vld [tilespmem:$0x0]  }
0x20: {  	s15 =	simm.s32 $0xE0;
	s16 =	simm.s32 $0x8900  }
0x21: {  	[tilespmem:s16], [sflag:$0x1] =	stream.indirect.gather [hbm4b:s5+s9], $0x20, s15, s9, $0xb8;
	v63 =	vld [tilespmem:$0x0]  }
0x22: {  	s17 =	simm.s32 $0x118;
	s18 =	simm.s32 $0x8F40  }
0x23: {  	[tilespmem:s18], [sflag:$0x1] =	stream.indirect.gather [hbm4b:s5+s9], $0x20, s17, s9, $0xb8;
	v63 =	vld [tilespmem:$0x0]  }
0x24: {  	s19 =	simm.s32 $0x150;
	s20 =	simm.s32 $0x9580  }
0x25: {  	[tilespmem:s20], [sflag:$0x1] =	stream.indirect.gather [hbm4b:s5+s9], $0x20, s19, s9, $0xb8;
	v63 =	vld [tilespmem:$0x0]  }
0x26: {  	s15 =	simm.s32 $0x188;
	s16 =	simm.s32 $0x9BC0  }
0x27: {  	[tilespmem:s16], [sflag:$0x1] =	stream.indirect.gather [hbm4b:s5+s9], $0x20, s15, s9, $0xb8;
	v63 =	vld [tilespmem:$0x0]  }
0x28: {  	s17 =	simm.s32 $0x1C0;
	s18 =	simm.s32 $0xA200  }
0x29: {  	[tilespmem:s18], [sflag:$0x1] =	stream.indirect.gather [hbm4b:s5+s9], $0x20, s17, s9, $0xb8;
	v63 =	vld [tilespmem:$0x0]  }
0x2a: {  	s19 =	simm.s32 $0x1F8;
	s20 =	simm.s32 $0xA840  }
0x2b: {  	[tilespmem:s20], [sflag:$0x1] =	stream.indirect.gather [hbm4b:s5+s9], $0x20, s19, s9, $0xb8;
	v63 =	vld [tilespmem:$0x0]  }
0x2c: {  	s15 =	simm.s32 $0x230;
	s16 =	simm.s32 $0xAE80  }
0x2d: {  	[tilespmem:s16], [sflag:$0x1] =	stream.indirect.gather [hbm4b:s5+s9], $0x20, s15, s9, $0xb8;
	v63 =	vld [tilespmem:$0x0]  }
0x2e: {  	s17 =	simm.s32 $0x268;
	s18 =	simm.s32 $0xB4C0  }
0x2f: {  	[tilespmem:s18], [sflag:$0x1] =	stream.indirect.gather [hbm4b:s5+s9], $0x20, s17, s9, $0xb8;
	v63 =	vld [tilespmem:$0x0]  }
0x30: {  	s19 =	simm.s32 $0x2A0;
	s20 =	simm.s32 $0xBB00  }
0x31: {  	[tilespmem:s20], [sflag:$0x1] =	stream.indirect.gather [hbm4b:s5+s9], $0x20, s19, s9, $0xb8;
	v63 =	vld [tilespmem:$0x0]  }
0x32: {  	s15 =	simm.s32 $0x2D8;
	s16 =	simm.s32 $0xC140  }
0x33: {  	[tilespmem:s16], [sflag:$0x1] =	stream.indirect.gather [hbm4b:s5+s9], $0x20, s15, s9, $0xb8;
	v63 =	vld [tilespmem:$0x0]  }
0x34: {  	s17 =	simm.s32 $0x310;
	s18 =	simm.s32 $0xC780  }
0x35: {  	[tilespmem:s18], [sflag:$0x1] =	stream.indirect.gather [hbm4b:s5+s9], $0x20, s17, s9, $0xb8;
	v63 =	vld [tilespmem:$0x0]  }
0x36: {  	s19 =	simm.s32 $0x348;
	s20 =	simm.s32 $0xCDC0  }
0x37: {  	[tilespmem:s20], [sflag:$0x1] =	stream.indirect.gather [hbm4b:s5+s9], $0x20, s19, s9, $0xb8;
	v63 =	vld [tilespmem:$0x0]  }
0x38: {  	s15 =	simm.s32 $0x380;
	s16 =	simm.s32 $0xD400  }
0x39: {  	[tilespmem:s16], [sflag:$0x1] =	stream.indirect.gather [hbm4b:s5+s9], $0x20, s15, s9, $0xb8;
	v63 =	vld [tilespmem:$0x0]  }
0x3a: {  	s17 =	simm.s32 $0x3B8;
	s18 =	simm.s32 $0xDA40  }
0x3b: {  	[tilespmem:s18], [sflag:$0x1] =	stream.indirect.gather [hbm4b:s5+s9], $0x20, s17, s9, $0xb8;
	v63 =	vld [tilespmem:$0x0]  }
0x3c: {  	s19 =	simm.s32 $0x3F0;
	s20 =	simm.s32 $0xE080  }
0x3d: {  	[tilespmem:s20], [sflag:$0x1] =	stream.indirect.gather [hbm4b:s5+s9], $0x20, s19, s9, $0xb8;
	v63 =	vld [tilespmem:$0x0]  }
0x3e: {  	s15 =	simm.s32 $0x428;
	s16 =	simm.s32 $0xE6C0  }
0x3f: {  	[tilespmem:s16], [sflag:$0x1] =	stream.indirect.gather [hbm4b:s5+s9], $0x20, s15, s9, $0xb8;
	v63 =	vld [tilespmem:$0x0]  }
0x40: {  	s17 =	simm.s32 $0x460;
	s18 =	simm.s32 $0xED00  }
0x41: {  	[tilespmem:s18], [sflag:$0x1] =	stream.indirect.gather [hbm4b:s5+s9], $0x20, s17, s9, $0xb8;
	v63 =	vld [tilespmem:$0x0]  }
0x42: {  	s19 =	simm.s32 $0x498;
	s20 =	simm.s32 $0xF340  }
0x43: {  	[tilespmem:s20], [sflag:$0x1] =	stream.indirect.gather [hbm4b:s5+s9], $0x20, s19, s9, $0xb8;
	v63 =	vld [tilespmem:$0x0]  }
0x44: {  	s15 =	simm.s32 $0x4D0;
	s16 =	simm.s32 $0xF980  }
0x45: {  	[tilespmem:s16], [sflag:$0x1] =	stream.indirect.gather [hbm4b:s5+s9], $0x20, s15, s9, $0xb8;
	v63 =	vld [tilespmem:$0x0]  }
0x46: {  	s17 =	simm.s32 $0x508;
	s18 =	simm.s32 $0xFFC0  }
0x47: {  	[tilespmem:s18], [sflag:$0x1] =	stream.indirect.gather [hbm4b:s5+s9], $0x20, s17, s9, $0xb8;
	v63 =	vld [tilespmem:$0x0]  }
0x48: {  	s19 =	simm.s32 $0x540;
	s20 =	simm.s32 $0x10600  }
0x49: {  	[tilespmem:s20], [sflag:$0x1] =	stream.indirect.gather [hbm4b:s5+s9], $0x20, s19, s9, $0xb8;
	v63 =	vld [tilespmem:$0x0]  }
0x4a: {  	s15 =	simm.s32 $0x578;
	s16 =	simm.s32 $0x10C40  }
0x4b: {  	[tilespmem:s16], [sflag:$0x1] =	stream.indirect.gather [hbm4b:s5+s9], $0x20, s15, s9, $0xb8;
	v63 =	vld [tilespmem:$0x0]  }
0x4c: {  	s17 =	simm.s32 $0x5B0;
	s18 =	simm.s32 $0x11280  }
0x4d: {  	[tilespmem:s18], [sflag:$0x1] =	stream.indirect.gather [hbm4b:s5+s9], $0x20, s17, s9, $0xb8;
	v63 =	vld [tilespmem:$0x0]  }
0x4e: {  	s19 =	simm.s32 $0x5E8;
	s20 =	simm.s32 $0x118C0  }
0x4f: {  	[tilespmem:s20], [sflag:$0x1] =	stream.indirect.gather [hbm4b:s5+s9], $0x20, s19, s9, $0xb8;
	v63 =	vld [tilespmem:$0x0]  }
0x50: {  	_ = 	snop  }
0x51: {  	[tilespmem:s22], [sflag:$0x1] =	stream.indirect.gather [hbm4b:s5+s9], $0x20, s21, s9, $0xb8;
	v63 =	vld [tilespmem:$0x0]  }
0x52: {  	_ = 	snop  }
0x53: {  	[tilespmem:s24], [sflag:$0x1] =	stream.indirect.gather [hbm4b:s5+s9], $0x20, s23, s9, $0xb8;
	v63 =	vld [tilespmem:$0x0]  }
.Ltmp2:
0x54: {  	_ = 	snop;
	(pc) =	sbr.rel .LBB2_2-.Ltmp2, $4  }
0x55: {  	_ = 	snop  }
0x56: {  	[tilespmem:s26], [sflag:$0x1] =	stream.indirect.gather [hbm4b:s5+s9], $0x20, s25, s9, $0xb8;
	v63 =	vld [tilespmem:$0x0]  }
0x57: {  	s13 =	simm.s32 $0x700;
	s14 =	simm.s32 $0xE00;
	s15 =	simm.s32 $0x0  }
0x58: {  	[tilespmem:s29], [sflag:$0x1] =	stream.indirect.gather [hbm4b:s5+s9], $0x20, s28, s9, $0xb8;
	v63 =	vld [tilespmem:$0x0]  }
.LBB2_7:
0x59: {  	_ =	swait.ge [sflag:s31], $0x640  }
0x5a: {  	[sflag:s31] =	ssyncset.done $0x0  }
0x5b: {  	[sflag:s31] =	ssyncadd.s32 $0xFFFFF9C0  }
0x5c: {  	_ =	swait.ge [sflag:s31], $0x640  }
0x5d: {  	[sflag:s31] =	ssyncset.done $0x0  }
0x5e: {  	[sflag:s31] =	ssyncadd.s32 $0xFFFFF9C0  }
0x5f: {  	_ =	swait.ge [sflag:s31], $0x640  }
0x60: {  	[sflag:s31] =	ssyncset.done $0x0  }
0x61: {  	[sflag:s31] =	ssyncadd.s32 $0xFFFFF9C0  }
0x62: {  	_ =	swait.ge [sflag:s31], $0x640  }
0x63: {  	[sflag:s31] =	ssyncset.done $0x0  }
0x64: {  	[sflag:s31] =	ssyncadd.s32 $0xFFFFF9C0  }
0x65: {  	_ =	swait.ge [sflag:s31], $0x640  }
0x66: {  	[sflag:s31] =	ssyncset.done $0x0  }
0x67: {  	[sflag:s31] =	ssyncadd.s32 $0xFFFFF9C0  }
0x68: {  	_ =	swait.ge [sflag:s31], $0x640  }
0x69: {  	[sflag:s31] =	ssyncset.done $0x0  }
0x6a: {  	[sflag:s31] =	ssyncadd.s32 $0xFFFFF9C0  }
0x6b: {  	_ =	swait.ge [sflag:s31], $0x640  }
0x6c: {  	[sflag:s31] =	ssyncset.done $0x0  }
0x6d: {  	[sflag:s31] =	ssyncadd.s32 $0xFFFFF9C0  }
0x6e: {  	_ =	swait.ge [sflag:s31], $0x640  }
0x6f: {  	[sflag:s31] =	ssyncset.done $0x0  }
0x70: {  	[sflag:s31] =	ssyncadd.s32 $0xFFFFF9C0  }
0x71: {  	_ =	swait.ge [sflag:s31], $0x640  }
0x72: {  	[sflag:s31] =	ssyncset.done $0x0  }
0x73: {  	[sflag:s31] =	ssyncadd.s32 $0xFFFFF9C0  }
0x74: {  	_ =	swait.ge [sflag:s31], $0x640  }
0x75: {  	[sflag:s31] =	ssyncset.done $0x0  }
0x76: {  	[sflag:s31] =	ssyncadd.s32 $0xFFFFF9C0  }
0x77: {  	_ =	swait.ge [sflag:s31], $0x640  }
0x78: {  	[sflag:s31] =	ssyncset.done $0x0  }
0x79: {  	[sflag:s31] =	ssyncadd.s32 $0xFFFFF9C0  }
0x7a: {  	_ =	swait.ge [sflag:s31], $0x640  }
0x7b: {  	[sflag:s31] =	ssyncset.done $0x0  }
0x7c: {  	[sflag:s31] =	ssyncadd.s32 $0xFFFFF9C0  }
0x7d: {  	_ =	swait.ge [sflag:s31], $0x640  }
0x7e: {  	[sflag:s31] =	ssyncset.done $0x0  }
0x7f: {  	[sflag:s31] =	ssyncadd.s32 $0xFFFFF9C0  }
0x80: {  	_ =	swait.ge [sflag:s31], $0x640  }
0x81: {  	[sflag:s31] =	ssyncset.done $0x0  }
0x82: {  	[sflag:s31] =	ssyncadd.s32 $0xFFFFF9C0  }
0x83: {  	_ =	swait.ge [sflag:s31], $0x640  }
0x84: {  	[sflag:s31] =	ssyncset.done $0x0  }
0x85: {  	[sflag:s31] =	ssyncadd.s32 $0xFFFFF9C0  }
0x86: {  	_ =	swait.ge [sflag:s31], $0x640  }
0x87: {  	[sflag:s31] =	ssyncset.done $0x0  }
0x88: {  	[sflag:s31] =	ssyncadd.s32 $0xFFFFF9C0  }
0x89: {  	_ =	swait.ge [sflag:s31], $0x640  }
0x8a: {  	[sflag:s31] =	ssyncset.done $0x0  }
0x8b: {  	[sflag:s31] =	ssyncadd.s32 $0xFFFFF9C0  }
0x8c: {  	_ =	swait.ge [sflag:s31], $0x640  }
0x8d: {  	[sflag:s31] =	ssyncset.done $0x0  }
0x8e: {  	[sflag:s31] =	ssyncadd.s32 $0xFFFFF9C0  }
0x8f: {  	_ =	swait.ge [sflag:s31], $0x640  }
0x90: {  	[sflag:s31] =	ssyncset.done $0x0  }
0x91: {  	[sflag:s31] =	ssyncadd.s32 $0xFFFFF9C0  }
0x92: {  	_ =	swait.ge [sflag:s31], $0x640  }
0x93: {  	[sflag:s31] =	ssyncset.done $0x0  }
0x94: {  	[sflag:s31] =	ssyncadd.s32 $0xFFFFF9C0  }
0x95: {  	_ =	swait.ge [sflag:s31], $0x640  }
0x96: {  	[sflag:s31] =	ssyncset.done $0x0  }
0x97: {  	[sflag:s31] =	ssyncadd.s32 $0xFFFFF9C0  }
0x98: {  	_ =	swait.ge [sflag:s31], $0x640  }
0x99: {  	[sflag:s31] =	ssyncset.done $0x0  }
0x9a: {  	[sflag:s31] =	ssyncadd.s32 $0xFFFFF9C0  }
0x9b: {  	_ =	swait.ge [sflag:s31], $0x640  }
0x9c: {  	[sflag:s31] =	ssyncset.done $0x0  }
0x9d: {  	[sflag:s31] =	ssyncadd.s32 $0xFFFFF9C0  }
0x9e: {  	_ =	swait.ge [sflag:s31], $0x640  }
0x9f: {  	[sflag:s31] =	ssyncset.done $0x0  }
0xa0: {  	[sflag:s31] =	ssyncadd.s32 $0xFFFFF9C0  }
0xa1: {  	_ =	swait.ge [sflag:s31], $0x640  }
0xa2: {  	[sflag:s31] =	ssyncset.done $0x0  }
0xa3: {  	[sflag:s31] =	ssyncadd.s32 $0xFFFFF9C0  }
0xa4: {  	_ =	swait.ge [sflag:s31], $0x640  }
0xa5: {  	[sflag:s31] =	ssyncset.done $0x0  }
0xa6: {  	[sflag:s31] =	ssyncadd.s32 $0xFFFFF9C0  }
0xa7: {  	_ =	swait.ge [sflag:s31], $0x640  }
0xa8: {  	[sflag:s31] =	ssyncset.done $0x0  }
0xa9: {  	[sflag:s31] =	ssyncadd.s32 $0xFFFFF9C0  }
0xaa: {  	_ =	swait.ge [sflag:s31], $0x640  }
0xab: {  	[sflag:s31] =	ssyncset.done $0x0  }
0xac: {  	[sflag:s31] =	ssyncadd.s32 $0xFFFFF9C0  }
0xad: {  	_ =	swait.ge [sflag:s31], $0x640  }
0xae: {  	[sflag:s31] =	ssyncset.done $0x0  }
0xaf: {  	[sflag:s31] =	ssyncadd.s32 $0xFFFFF9C0  }
0xb0: {  	_ =	swait.ge [sflag:s31], $0x640  }
0xb1: {  	[sflag:s31] =	ssyncset.done $0x0  }
0xb2: {  	[sflag:s31] =	ssyncadd.s32 $0xFFFFF9C0  }
0xb3: {  	s15 =	sadd.s32 $0x1, s15;
	_ =	swait.ge [sflag:s31], $0x640  }
0xb4: {  	p0 =	sne.s32 s15, $0x8;
	[sflag:s31] =	ssyncset.done $0x0  }
.Ltmp3:
0xb5: {  	s16 =	sadd.s32 s3, s16;
	[sflag:s31] =	ssyncadd.s32 $0xFFFFF9C0;
	(pc) =	sbr.rel @!p0 .LBB2_8-.Ltmp3, $4  }
0xb6: {  	s16 =	smul.u32 $0xC8, s16;
	_ =	swait.ge [sflag:s31], $0x640  }
0xb7: {  	s13 =	sadd.s32 $0xE00, s13;
	[sflag:s31] =	ssyncset.done $0x0  }
0xb8: {  	s14 =	sadd.s32 $0xE00, s14;
	s16 =	sadd.s32 s2, s16;
	[sflag:s31] =	ssyncadd.s32 $0xFFFFF9C0  }
0xb9: {  	[hbm4b:s16+s4] =	stream.linear.scatter [tilespmem:s1], [sflag:$0x4], $0xC800, $0x38;
	v63 =	vld [tilespmem:$0x0]  }
.LBB2_2:
0xba: {  	p0 =	seq.s32 s15, $0x0  }
0xbb: {  	s16 =	simm.s32 @!p0 $0x4  }
0xbc: {  	s18 =	simm.s32 $0x13800;
	_ =	swait.ge @!p0 [sflag:s16], $0xC800  }
0xbd: {  	s20 =	sadd.s32 $0x0, s13;
	s17 =	sshll.u32 s15, $0x6;
	[sflag:s16] =	ssyncset.done @!p0 $0x0  }
0xbe: {  	s19 =	simm.s32 $0xE0;
	[sflag:s16] =	ssyncadd.s32 @!p0 $0xFFFF3800;
	s16 =	sor.u32 $0x20, s17  }
0xbf: {  	[tilespmem:s18], [sflag:$0x2] =	stream.indirect.gather [hbm4b:s5+s9], $0x20, s20, s9, $0xb8;
	v63 =	vld [tilespmem:$0x0]  }
.LBB2_3:
0xc0: {  	p0 =	sne.s32 s19, $0x1B20  }
.Ltmp4:
0xc1: {  	_ = 	snop;
	(pc) =	sbr.rel @p0 .LBB2_3-.Ltmp4, $4  }
0xc2: {  	_ = 	snop  }
0xc3: {  	s20 =	sshra.s32 s19, $0x2;
	s19 =	sadd.s32 $0xE0, s19  }
0xc4: {  	s18 =	sadd.s32 $0x640, s18;
	s20 =	sadd.s32 s20, s13  }
0xc5: {  	[tilespmem:s18], [sflag:$0x2] =	stream.indirect.gather [hbm4b:s5+s9], $0x20, s20, s9, $0xb8;
	v63 =	vld [tilespmem:$0x0]  }
0xc6: {  	_ =	swait.ge [sflag:s30], $0x640  }
0xc7: {  	[sflag:s30] =	ssyncset.done $0x0  }
0xc8: {  	[sflag:s30] =	ssyncadd.s32 $0xFFFFF9C0  }
0xc9: {  	_ =	swait.ge [sflag:s30], $0x640  }
0xca: {  	[sflag:s30] =	ssyncset.done $0x0  }
0xcb: {  	[sflag:s30] =	ssyncadd.s32 $0xFFFFF9C0  }
0xcc: {  	_ =	swait.ge [sflag:s30], $0x640  }
0xcd: {  	[sflag:s30] =	ssyncset.done $0x0  }
0xce: {  	[sflag:s30] =	ssyncadd.s32 $0xFFFFF9C0  }
0xcf: {  	_ =	swait.ge [sflag:s30], $0x640  }
0xd0: {  	[sflag:s30] =	ssyncset.done $0x0  }
0xd1: {  	[sflag:s30] =	ssyncadd.s32 $0xFFFFF9C0  }
0xd2: {  	_ =	swait.ge [sflag:s30], $0x640  }
0xd3: {  	[sflag:s30] =	ssyncset.done $0x0  }
0xd4: {  	[sflag:s30] =	ssyncadd.s32 $0xFFFFF9C0  }
0xd5: {  	_ =	swait.ge [sflag:s30], $0x640  }
0xd6: {  	[sflag:s30] =	ssyncset.done $0x0  }
0xd7: {  	[sflag:s30] =	ssyncadd.s32 $0xFFFFF9C0  }
0xd8: {  	_ =	swait.ge [sflag:s30], $0x640  }
0xd9: {  	[sflag:s30] =	ssyncset.done $0x0  }
0xda: {  	[sflag:s30] =	ssyncadd.s32 $0xFFFFF9C0  }
0xdb: {  	_ =	swait.ge [sflag:s30], $0x640  }
0xdc: {  	[sflag:s30] =	ssyncset.done $0x0  }
0xdd: {  	[sflag:s30] =	ssyncadd.s32 $0xFFFFF9C0  }
0xde: {  	_ =	swait.ge [sflag:s30], $0x640  }
0xdf: {  	[sflag:s30] =	ssyncset.done $0x0  }
0xe0: {  	[sflag:s30] =	ssyncadd.s32 $0xFFFFF9C0  }
0xe1: {  	_ =	swait.ge [sflag:s30], $0x640  }
0xe2: {  	[sflag:s30] =	ssyncset.done $0x0  }
0xe3: {  	[sflag:s30] =	ssyncadd.s32 $0xFFFFF9C0  }
0xe4: {  	_ =	swait.ge [sflag:s30], $0x640  }
0xe5: {  	[sflag:s30] =	ssyncset.done $0x0  }
0xe6: {  	[sflag:s30] =	ssyncadd.s32 $0xFFFFF9C0  }
0xe7: {  	_ =	swait.ge [sflag:s30], $0x640  }
0xe8: {  	[sflag:s30] =	ssyncset.done $0x0  }
0xe9: {  	[sflag:s30] =	ssyncadd.s32 $0xFFFFF9C0  }
0xea: {  	_ =	swait.ge [sflag:s30], $0x640  }
0xeb: {  	[sflag:s30] =	ssyncset.done $0x0  }
0xec: {  	[sflag:s30] =	ssyncadd.s32 $0xFFFFF9C0  }
0xed: {  	_ =	swait.ge [sflag:s30], $0x640  }
0xee: {  	[sflag:s30] =	ssyncset.done $0x0  }
0xef: {  	[sflag:s30] =	ssyncadd.s32 $0xFFFFF9C0  }
0xf0: {  	_ =	swait.ge [sflag:s30], $0x640  }
0xf1: {  	[sflag:s30] =	ssyncset.done $0x0  }
0xf2: {  	[sflag:s30] =	ssyncadd.s32 $0xFFFFF9C0  }
0xf3: {  	_ =	swait.ge [sflag:s30], $0x640  }
0xf4: {  	[sflag:s30] =	ssyncset.done $0x0  }
0xf5: {  	[sflag:s30] =	ssyncadd.s32 $0xFFFFF9C0  }
0xf6: {  	_ =	swait.ge [sflag:s30], $0x640  }
0xf7: {  	[sflag:s30] =	ssyncset.done $0x0  }
0xf8: {  	[sflag:s30] =	ssyncadd.s32 $0xFFFFF9C0  }
0xf9: {  	_ =	swait.ge [sflag:s30], $0x640  }
0xfa: {  	[sflag:s30] =	ssyncset.done $0x0  }
0xfb: {  	[sflag:s30] =	ssyncadd.s32 $0xFFFFF9C0  }
0xfc: {  	_ =	swait.ge [sflag:s30], $0x640  }
0xfd: {  	[sflag:s30] =	ssyncset.done $0x0  }
0xfe: {  	[sflag:s30] =	ssyncadd.s32 $0xFFFFF9C0  }
0xff: {  	_ =	swait.ge [sflag:s30], $0x640  }
0x100: {  	[sflag:s30] =	ssyncset.done $0x0  }
0x101: {  	[sflag:s30] =	ssyncadd.s32 $0xFFFFF9C0  }
0x102: {  	_ =	swait.ge [sflag:s30], $0x640  }
0x103: {  	[sflag:s30] =	ssyncset.done $0x0  }
0x104: {  	[sflag:s30] =	ssyncadd.s32 $0xFFFFF9C0  }
0x105: {  	_ =	swait.ge [sflag:s30], $0x640  }
0x106: {  	[sflag:s30] =	ssyncset.done $0x0  }
0x107: {  	[sflag:s30] =	ssyncadd.s32 $0xFFFFF9C0  }
0x108: {  	_ =	swait.ge [sflag:s30], $0x640  }
0x109: {  	[sflag:s30] =	ssyncset.done $0x0  }
0x10a: {  	[sflag:s30] =	ssyncadd.s32 $0xFFFFF9C0  }
0x10b: {  	_ =	swait.ge [sflag:s30], $0x640  }
0x10c: {  	[sflag:s30] =	ssyncset.done $0x0  }
0x10d: {  	[sflag:s30] =	ssyncadd.s32 $0xFFFFF9C0  }
0x10e: {  	_ =	swait.ge [sflag:s30], $0x640  }
0x10f: {  	[sflag:s30] =	ssyncset.done $0x0  }
0x110: {  	[sflag:s30] =	ssyncadd.s32 $0xFFFFF9C0  }
0x111: {  	_ =	swait.ge [sflag:s30], $0x640  }
0x112: {  	[sflag:s30] =	ssyncset.done $0x0  }
0x113: {  	[sflag:s30] =	ssyncadd.s32 $0xFFFFF9C0  }
0x114: {  	_ =	swait.ge [sflag:s30], $0x640  }
0x115: {  	[sflag:s30] =	ssyncset.done $0x0  }
0x116: {  	[sflag:s30] =	ssyncadd.s32 $0xFFFFF9C0  }
0x117: {  	_ =	swait.ge [sflag:s30], $0x640  }
0x118: {  	[sflag:s30] =	ssyncset.done $0x0  }
0x119: {  	[sflag:s30] =	ssyncadd.s32 $0xFFFFF9C0  }
0x11a: {  	_ =	swait.ge [sflag:s30], $0x640  }
0x11b: {  	[sflag:s30] =	ssyncset.done $0x0  }
0x11c: {  	[sflag:s30] =	ssyncadd.s32 $0xFFFFF9C0  }
0x11d: {  	_ =	swait.ge [sflag:s30], $0x640  }
0x11e: {  	[sflag:s30] =	ssyncset.done $0x0  }
0x11f: {  	[sflag:s30] =	ssyncadd.s32 $0xFFFFF9C0  }
0x120: {  	_ =	swait.ge [sflag:s30], $0x640  }
0x121: {  	p0 =	seq.s32 s15, $0x7;
	[sflag:s30] =	ssyncset.done $0x0  }
.Ltmp5:
0x122: {  	s17 =	sadd.s32 s3, s17;
	[sflag:s30] =	ssyncadd.s32 $0xFFFFF9C0;
	(pc) =	sbr.rel @p0 .LBB2_7-.Ltmp5, $4  }
0x123: {  	s17 =	smul.u32 $0xC8, s17;
	_ =	swait.ge [sflag:s30], $0x640  }
0x124: {  	[sflag:s30] =	ssyncset.done $0x0  }
0x125: {  	s17 =	sadd.s32 s2, s17;
	[sflag:s30] =	ssyncadd.s32 $0xFFFFF9C0  }
0x126: {  	[hbm4b:s17+s4] =	stream.linear.scatter [tilespmem:s10], [sflag:$0x3], $0xC800, $0x38;
	v63 =	vld [tilespmem:$0x0]  }
0x127: {  	_ =	swait.ge [sflag:s0], $0xC800  }
0x128: {  	[sflag:s0] =	ssyncset.done $0x0  }
0x129: {  	s17 =	simm.s32 $0x7000;
	s18 =	sadd.s32 $0x0, s14;
	[sflag:s0] =	ssyncadd.s32 $0xFFFF3800  }
0x12a: {  	[tilespmem:s17], [sflag:$0x1] =	stream.indirect.gather [hbm4b:s5+s9], $0x20, s18, s9, $0xb8;
	v63 =	vld [tilespmem:$0x0]  }
0x12b: {  	s18 =	simm.s32 $0xE0  }
.LBB2_6:
0x12c: {  	p0 =	sne.s32 s18, $0x1B20  }
.Ltmp6:
0x12d: {  	_ = 	snop;
	(pc) =	sbr.rel @p0 .LBB2_6-.Ltmp6, $4  }
0x12e: {  	_ = 	snop  }
0x12f: {  	s19 =	sshra.s32 s18, $0x2;
	s18 =	sadd.s32 $0xE0, s18  }
0x130: {  	s17 =	sadd.s32 $0x640, s17;
	s19 =	sadd.s32 s19, s14  }
0x131: {  	[tilespmem:s17], [sflag:$0x1] =	stream.indirect.gather [hbm4b:s5+s9], $0x20, s19, s9, $0xb8;
	v63 =	vld [tilespmem:$0x0]  }
.Ltmp7:
0x132: {  	_ = 	snop;
	(pc) =	sbr.rel .LBB2_7-.Ltmp7, $1  }
0x133: {  	_ =	sdelay $0x3  }
.LBB2_9:
0x134: {  	_ =	sfence.sel $0x180000  }
0x135: {  	[bflag:$0x0] =	sbarrier.arrive $0xFFFF  }
0x136: {  	_ =	strace $0x90000047  }
0x137: {  	s0 =	stileid.u32;
	[bflag:$0x2] =	sbarrier.arrive $0xFFFF  }
0x138: {  	p0 =	sne.s32 s0, $0x0;
	s0 =	rddreg [dreg:$0x2]  }
0x139: {  	s0 =	sadd.s32 @!p0 $0x100000, s0  }
0x13a: {  	[sflag:s0] =	ssyncadd.tile.s32 @!p0 $0x1;
	_ =	shalt  }
.Lfunc_end2:
_tile_overlayer_lowered:
.L_overlay_start_2:
0x13b: {  	(tag) =	ssettag $0x2  }
0x13c: {  	s0 =	rddreg [dreg:$0x0];
	s2 =	stileid.u32  }
0x13d: {  	s1 =	rddreg [dreg:$0x1];
	p0 =	sne.s32 s2, $0x0  }
0x13e: {  	s3 =	rddreg [dreg:$0x2];
	[bflag:$0x3] =	sbarrier.arrive $0xFFFF;
	s2 =	simm.s32 @!p0 $0x1C05  }
0x13f: {  	[timem:s3], [sflag:s2] =	dma.local @!p0 [hbm:s0], s1  }
0x140: {  	s0 =	simm.s32 @!p0 $0x5  }
0x141: {  	_ =	swait.ge @!p0 [sflag:s0], s1  }
0x142: {  	s1 =	ssub.s32 @!p0 $0x0, s1;
	[sflag:s0] =	ssyncset.done @!p0 $0x0  }
0x143: {  	[sflag:s0] =	ssyncadd.s32 @!p0 s1  }
0x144: {  	[bflag:$0x3] =	sbarrier.arrive $0xFFFF  }
0x145: {  	_ =	shalt  }

// kernel: sparse-core-data-format-call.cloned.1.call-start
scs
called_computation_lowered:
.L_overlay_start_0:
0x0: {  	s2 =	sld [smem:$0x3FD9]  }
0x1: {  	s3 =	sld [smem:$0x3FFE];
	_ =	sdelay $0x1  }
0x2: {  	s1 =	srdreg.scid  }
0x3: {  	s0 =	sand.u32 $0x1, s1  }
0x4: {  	s18 =	sshll.u32 s0, $0xA;
	s2 =	sadd.s32 s3, s2  }
0x5: {  	s2 =	sadd.s32 s2, s18  }
0x6: {  	[smem:$0x3FC6] =	sst s2  }
0x7: {  	_ = 	snop  }
0x8: {  	s2 =	sld [smem:$0x3FD0];
	(tm) =	ssettm $0x1  }
0x9: {  	s19 =	sld [smem:$0x3FFB];
	_ =	sdelay $0x3  }
0xa: {  	_ =	strace s19  }
0xb: {  	s3 =	sld [smem:$0x3FFC];
	_ =	sdelay $0x3  }
0xc: {  	_ =	strace s3  }
0xd: {  	s3 =	sld [smem:$0x3FFD];
	_ =	sdelay $0x3  }
0xe: {  	_ =	strace s3  }
0xf: {  	_ =	strace $0x8FFFFFFF  }
0x10: {  	s20 =	sld [smem:$0x3FDB];
	_ =	sdelay $0x1  }
0x11: {  	s4 =	simm.s32 $_scs_section_size  }
0x12: {  	s5 =	simm.s32 $_size__tile_overlayer_lowered;
	s6 =	simm.s32 $_tile_overlayer_lowered  }
0x13: {  	s23 =	simm.s32 $0x1BFF;
	s22 =	sshll.u32 s6, $0x1;
	s3 =	sadd.s32 s4, s20  }
0x14: {  	s7 =	simm.s32 $0x0;
	s21 =	sshll.u32 s5, $0x1;
	s5 =	sadd.s32 s22, s3  }
0x15: {  	[timem:s7], [sflag:s23] =	dma.local [hbm:s5], s21  }
0x16: {  	_ =	swait.ge [sflag:s23], s21  }
0x17: {  	s4 =	ssub.s32 $0x0, s21;
	[sflag:s23] =	ssyncset.done $0x0  }
0x18: {  	[sflag:s23] =	ssyncadd.s32 s4;
	_ =	sdelay $0x1  }
0x19: {  	s24 =	simm.s32 $0x1B8B  }
0x1a: {  	_ =	swait.ge [sflag:s24], $0x1  }
0x1b: {  	[sflag:s24] =	ssyncset.done $0x0  }
0x1c: {  	s26 =	simm.s32 $0x1B8E;
	s25 =	sld [smem:$0x3FFE];
	[sflag:s24] =	ssyncadd.s32 $0xFFFFFFFF  }
0x1d: {  	s27 =	simm.s32 $execute0_lowered;
	[smem:$0x3FD2] =	sst s26  }
0x1e: {  	s5 =	sshll.u32 s27, $0x1;
	_ =	strace $0x80000049;
	[dreg:$0x1] =	wrdreg $0xFFFFFFFF  }
0x1f: {  	s28 =	simm.s32 $_size_execute0_lowered;
	s3 =	sadd.s32 s3, s5;
	[dreg:$0x0] =	wrdreg $0x0  }
0x20: {  	s5 =	sshll.u32 s28, $0x1;
	[dreg:$0x2] =	wrdreg s3  }
0x21: {  	[dreg:$0x3] =	wrdreg s5  }
0x22: {  	[dreg:$0x4] =	wrdreg $0xC0  }
0x23: {  	_ =	task [dreg:s7], $0x5FFFF  }
0x24: {  	[dreg:$0x1] =	wrdreg $0xFFFFFFFF  }
0x25: {  	[dreg:$0x0] =	wrdreg $0x60  }
0x26: {  	[dreg:$0x2] =	wrdreg s25  }
0x27: {  	[dreg:$0x3] =	wrdreg s2  }
0x28: {  	[dreg:$0x4] =	wrdreg $0x9  }
0x29: {  	_ =	task.clear_ibuf [dreg:s7], $0x5FFFF;
	_ =	strace $0x90000049  }
0x2a: {  	s29 =	simm.s32 $0x9;
	_ =	strace $0x8000004B  }
0x2b: {  	_ =	swait.ge [sflag:s29], $0x1  }
0x2c: {  	[sflag:s29] =	ssyncadd.s32 $0xFFFFFFFF  }
0x2d: {  	_ =	strace $0x9000004B  }
0x2e: {  	_ =	sfence  }
0x2f: {  	s30 =	sld [smem:$0x0];
	_ =	sdelay $0x2  }
0x30: {  	s31 =	sshll.u32 s1, $0xD;
	s1 =	sshrl.u32 s1, $0x2  }
0x31: {  	s3 =	sand.u32 $0x4000, s31;
	s1 =	sadd.s32 s1, s30  }
0x32: {  	s0 =	sor.u32 s3, s0;
	s1 =	sshll.u32 s1, $0x11  }
0x33: {  	s0 =	sor.u32 s1, s0  }
0x34: {  	s0 =	sadd.s32 $0x8F2B, s0  }
0x35: {  	[sflag:s0] =	ssyncadd.remote.s32 $0x1  }
0x36: {  	_ =	sfence.sel $0xFFFF  }
0x37: {  	[dreg:$0x0] =	wrdreg $0xFFFFFFFF;
	(pc) =	sbr.abs _section_cstart, $3  }
0x38: {  	[dreg:$0x1] =	wrdreg $0xFFFFFFFF  }
0x39: {  	_ =	task.clear_ibuf [dreg:s7], $0x2FFFF;
	_ =	strace $0x9FFFFFFF  }
0x3a: {  	(tm) =	ssettm $0x7FFFFFFF  }
0x3b: {  	_ =	shalt  }
tec
execute0_lowered:
.L_overlay_start_1:
0x0: {  	(tag) =	ssettag $0x1  }
0x1: {  	s0 =	srdreg.scid  }
0x2: {  	s1 =	sshll.u32 s0, $0x4  }
0x3: {  	s0 =	stileid.u32;
	s1 =	sand.u32 $0x10, s1  }
0x4: {  	s1 =	sor.u32 s0, s1  }
0x5: {  	s6 =	rddreg [dreg:$0x0];
	s4 =	simm.s32 $0x1;
	s2 =	sshll.u32 s1, $0x7  }
0x6: {  	s7 =	simm.s32 $0x2;
	s12 =	simm.s32 $0x0;
	s1 =	ssub.s32 $0x4000, s2  }
0x7: {  	s8 =	simm.s32 $0x20000;
	s13 =	simm.s32 $0x0;
	s3 =	sand.u32 $0xF80, s1  }
0x8: {  	s9 =	simm.s32 $0x0;
	s5 =	sshrl.u32 s1, $0xC;
	p0 =	sne.s32 s3, $0x0  }
.Ltmp0:
0x9: {  	s1 =	rddreg [dreg:$0x2];
	s4 =	simm.s32 @!p0 $0x0;
	(pc) =	sbr.rel .LBB1_1-.Ltmp0, $4  }
0xa: {  	s11 =	simm.s32 $0x0;
	s3 =	rddreg [dreg:$0x1];
	s5 =	sadd.s32 s4, s5  }
0xb: {  	_ =	strace $0x8000004A;
	s4 =	simm.s32 $0x1;
	s5 =	smul.u32 $0x32, s5  }
0xc: {  	s6 =	sadd.s32 $0x1800, s6;
	s10 =	smov.u32 s2;
	[sflag:s4] =	ssyncpa.u1 $0x0  }
0xd: {  	p0 =	por $0x0, $0x0;
	[sflag:s7] =	ssyncpa.u1 $0x0;
	s7 =	sor.u32 $0x1, s5  }
.LBB1_4:
0xe: {  	s16 =	sshll.u32 s13, $0x3;
	s17 =	sand.u32 $0x78, s13  }
0xf: {  	s30 =	sand.u32 $0xF800, s13;
	s12 =	sshll.u32 s12, $0x10;
	s16 =	sand.u32 $0x3C00, s16  }
0x10: {  	s31 =	sand.u32 $0x7, s13;
	s16 =	sor.u32 s17, s16;
	s17 =	sadd.s32 s3, s30  }
0x11: {  	s13 =	sshll.u32 s31, $0x12;
	s16 =	sshrl.u32 s16, $0x3;
	s12 =	sadd.s32 s12, s17  }
0x12: {  	[tilespmem:s15+$0x0 ss:$0x81] =	vst.msk $0xffff, v0;
	s13 =	sor.u32 $0x400, s13;
	s12 =	sadd.s32 s16, s12  }
0x13: {  	[hbm4b:s12+s13] =	stream.strided.scatter [tilespmem:s14], [sflag:$0x2], $0x1000, s8, s13, $0x20;
	[tilespmem:$0x4040] =	vst v63  }
.LBB1_5:
0x14: {  	s14 =	sadd.s32 $0x1, s9  }
0x15: {  	s12 =	sadd.s32 $0x1000, s10;
	s16 =	smov.u32 s10;
	p2 =	sgt.s32 s14, $0x31  }
0x16: {  	s16 =	smov.u32 @p2 s12  }
0x17: {  	s14 =	simm.s32 @p2 $0x0;
	p2 =	sgt.s32 s16, $0x3FFF  }
0x18: {  	s16 =	smov.u32 @p2 s2;
	p2 =	sne.s32 s11, s7  }
.Ltmp1:
0x19: {  	p1 =	slt.u32 s11, $0x2;
	(pc) =	sbr.rel @!p2 .LBB1_6-.Ltmp1, $4  }
0x1a: {  	s15 =	simm.s32 @!p1 $0x2  }
0x1b: {  	s13 =	smov.u32 s10;
	p0 =	por !p0, !p0;
	_ =	swait.ge @!p1 [sflag:s15], $0x1000  }
0x1c: {  	s12 =	smov.u32 s9;
	[sflag:s15] =	ssyncset.done @!p1 $0x0;
	s9 =	smov.u32 s14  }
0x1d: {  	s11 =	sadd.s32 $0x1, s11;
	[sflag:s15] =	ssyncadd.s32 @!p1 $0xFFFFF000;
	s10 =	smov.u32 s16  }
.LBB1_1:
0x1e: {  	p1 =	sge.u32 s11, s5  }
0x1f: {  	s14 =	sand.u32 @!p1 $0x1FFFFFF, s9  }
0x20: {  	s15 =	smulhi.u32 @!p1 $0x4924925, s14;
	_ =	sdelay $0x1  }
0x21: {  	s15 =	smul.u32 @!p1 $0x38, s15  }
0x22: {  	s16 =	sxor.u32 @!p1 $0xFFFFFFFF, s11;
	s17 =	smul.u32 @!p1 $0x380, s10  }
0x23: {  	s31 =	sadd.s32 $0xFFFFFFFF, s11;
	s16 =	sshll.u32 @!p1 s16, $0xC;
	s14 =	ssub.s32 @!p1 s14, s15  }
0x24: {  	s15 =	sand.u32 @!p1 $0x1000, s16;
	s16 =	sadd.s32 @!p1 s6, s17;
	s14 =	sshll.u32 @!p1 s14, $0x4  }
0x25: {  	s17 =	simm.s32 @!p1 $0x1C00;
	s14 =	sadd.s32 @!p1 s14, s16;
	s16 =	simm.s32 @!p1 $0x20  }
0x26: {  	[tilespmem:s15], [sflag:$0x1] =	stream.strided.gather @!p1 [hbm4b:s14+s16], $0x1000, s17, s16, $0x38;
	[tilespmem:$0x4040] =	vst v63  }
0x27: {  	p1 =	sge.u32 s31, s5  }
.Ltmp2:
0x28: {  	_ = 	snop;
	(pc) =	sbr.rel @p1 .LBB1_5-.Ltmp2, $1  }
0x29: {  	_ =	sdelay $0x3  }
0x2a: {  	s14 =	simm.s32 $0x1  }
0x2b: {  	_ =	swait.ge [sflag:s4], $0x1000;
	s14 =	simm.s32 @!p0 $0x0  }
0x2c: {  	[sflag:s4] =	ssyncset.done $0x0;
	s15 =	sshll.u32 s14, $0xC  }
0x2d: {  	[sflag:s4] =	ssyncadd.s32 $0xFFFFF000;
	s18 =	sor.u32 $0x10, s15  }
0x2e: {  	s14 =	smul.u32 $0x4080, s14;
	v1 =	vld [tilespmem:s18+$0x0]  }
0x2f: {  	s30 =	sand.u32 $0x1, s11;
	v0 =	vld [tilespmem:s18+$0xFFFFFFF0]  }
0x30: {  	s15 =	smul.u32 $0x4080, s30;
	s14 =	sshrl.u32 s14, $0x2  }
0x31: {  	s16 =	sor.u32 $0x2000, s14  }
0x32: {  	s31 =	sshrl.u32 s15, $0x2;
	s15 =	sadd.s32 $0x0, s16  }
0x33: {  	s17 =	simm.s32 $0x4;
	s18 =	sadd.s32 $0x20, s18;
	s14 =	sor.u32 $0x2000, s31;
	[tilespmem:s15+$0x810 ss:$0x81] =	vst.msk $0xffff, v1  }
.LBB1_3:
0x34: {  	v1 =	vld [tilespmem:s18+$0x0];
	p1 =	sne.s32 s17, $0x1FC;
	[tilespmem:s15+$0x0 ss:$0x81] =	vst.msk $0xffff, v0;
	s15 =	smov.u32 s17;
	s17 =	sadd.s32 $0x4, s17  }
.Ltmp3:
0x35: {  	v0 =	vld [tilespmem:s18+$0xFFFFFFF0];
	(pc) =	sbr.rel @p1 .LBB1_3-.Ltmp3, $4  }
0x36: {  	_ = 	snop  }
0x37: {  	s15 =	sshra.s32 s15, $0x2  }
0x38: {  	s15 =	sadd.s32 s15, s16  }
0x39: {  	s18 =	sadd.s32 $0x20, s18;
	[tilespmem:s15+$0x810 ss:$0x81] =	vst.msk $0xffff, v1  }
.Ltmp4:
0x3a: {  	_ = 	snop;
	(pc) =	sbr.rel .LBB1_4-.Ltmp4, $1  }
0x3b: {  	_ =	sdelay $0x3  }
.LBB1_6:
0x3c: {  	_ =	sfence.sel $0x180000  }
0x3d: {  	s2 =	simm.s32 $0x1;
	[bflag:$0x0] =	sbarrier.arrive $0xFFFF  }
0x3e: {  	s31 =	simm.s32 $0x2;
	[sflag:s2] =	ssyncpa.u1 $0x1  }
0x3f: {  	[sflag:s31] =	ssyncpa.u1 $0x1  }
0x40: {  	p0 =	sne.s32 s0, $0x0;
	_ =	strace $0x9000004A  }
0x41: {  	s0 =	sadd.s32 @!p0 $0x100000, s1;
	[bflag:$0x2] =	sbarrier.arrive $0xFFFF  }
0x42: {  	[sflag:s0] =	ssyncadd.tile.s32 @!p0 $0x1;
	_ =	shalt  }
.Lfunc_end1:
_tile_overlayer_lowered:
.L_overlay_start_2:
0x43: {  	(tag) =	ssettag $0x2  }
0x44: {  	s0 =	rddreg [dreg:$0x0];
	s2 =	stileid.u32  }
0x45: {  	s1 =	rddreg [dreg:$0x1];
	p0 =	sne.s32 s2, $0x0  }
0x46: {  	s3 =	rddreg [dreg:$0x2];
	[bflag:$0x3] =	sbarrier.arrive $0xFFFF;
	s2 =	simm.s32 @!p0 $0x1C01  }
0x47: {  	[timem:s3], [sflag:s2] =	dma.local @!p0 [hbm:s0], s1  }
0x48: {  	s0 =	simm.s32 @!p0 $0x1  }
0x49: {  	_ =	swait.ge @!p0 [sflag:s0], s1  }
0x4a: {  	s1 =	ssub.s32 @!p0 $0x0, s1;
	[sflag:s0] =	ssyncset.done @!p0 $0x0  }
0x4b: {  	[sflag:s0] =	ssyncadd.s32 @!p0 s1  }
0x4c: {  	[bflag:$0x3] =	sbarrier.arrive $0xFFFF  }
0x4d: {  	_ =	shalt  }

</sc_bundles>
